<compile_context>
chip_gen: v7x
topology: tpu7x:2x2x1
jax: 0.10.2.dev20260603
libtpu: 0.0.44.dev20260713+nightly
codegen_flags: <defaults>
</compile_context>

<pallas_src>
import functools

import jax
import jax.numpy as jnp
from jax import lax
from jax.experimental import pallas as pl
from jax.experimental.pallas import tpu as pltpu
from jax.experimental.pallas import tpu_sc as plsc

_MASK_RATIO = 0.15
_ROWS_PER_BLOCK = 496
_LANES = 16


def _build_mask_row_sc(ones_row, idx_padded):
    (seq,) = ones_row.shape
    (n_pad,) = idx_padded.shape
    mesh = plsc.VectorSubcoreMesh(core_axis_name="c", subcore_axis_name="s")

    @functools.partial(
        pl.kernel,
        out_type=jax.ShapeDtypeStruct((seq,), jnp.float32),
        mesh=mesh,
        scratch_types=[
            pltpu.VMEM((n_pad,), jnp.int32),
            pltpu.VMEM((seq,), jnp.float32),
            pltpu.SemaphoreType.DMA,
            pltpu.SemaphoreType.DMA,
        ],
        compiler_params=pltpu.CompilerParams(needs_layout_passes=False),
    )
    def sc_mask(ones_hbm, idx_hbm, out_hbm, idx_v, row_v, sem_a, sem_b):
        wid = lax.axis_index("s") * 2 + lax.axis_index("c")

        @pl.when(wid == 0)
        def _():
            cp_row = pltpu.make_async_copy(ones_hbm, row_v, sem_a)
            cp_idx = pltpu.make_async_copy(idx_hbm, idx_v, sem_b)
            cp_row.start()
            cp_idx.start()
            cp_row.wait()
            cp_idx.wait()
            zeros = jnp.zeros((_LANES,), jnp.float32)
            for i in range(n_pad // _LANES):
                idx = idx_v[pl.ds(i * _LANES, _LANES)]
                plsc.store_scatter(row_v, [idx], zeros)
            pltpu.sync_copy(row_v, out_hbm)

    return sc_mask(ones_row, idx_padded)


def _mask_body(widx_ref, m0_ref, m1_ref, x_ref, o_ref):
    row = jnp.where(widx_ref[0] == 0, m0_ref[...], m1_ref[...])
    o_ref[...] = x_ref[...] * row


def kernel(x, window_idx):
    batch, chans, seq = x.shape
    n_mask = int(seq * _MASK_RATIO)

    perm = jax.random.permutation(jax.random.key(42), seq)
    mask_idx = perm[:n_mask].astype(jnp.int32)
    n_pad = ((n_mask + _LANES - 1) // _LANES) * _LANES
    idx_padded = jnp.concatenate(
        [mask_idx, jnp.broadcast_to(mask_idx[:1], (n_pad - n_mask,))]
    )

    mask0 = _build_mask_row_sc(jnp.ones((seq,), jnp.float32), idx_padded)
    mask0 = mask0.reshape(1, seq)
    mask1 = jnp.ones((seq,), jnp.float32).at[seq - 1].set(0.0).reshape(1, seq)

    rows = batch * chans
    x2 = x.reshape(rows, seq)
    widx = jnp.asarray(window_idx, jnp.int32).reshape(1)

    blk = _ROWS_PER_BLOCK

    out = pl.pallas_call(
        _mask_body,
        grid=(pl.cdiv(rows, blk),),
        in_specs=[
            pl.BlockSpec(memory_space=pltpu.SMEM),
            pl.BlockSpec((1, seq), lambda i: (0, 0)),
            pl.BlockSpec((1, seq), lambda i: (0, 0)),
            pl.BlockSpec((blk, seq), lambda i: (i, 0)),
        ],
        out_specs=pl.BlockSpec((blk, seq), lambda i: (i, 0)),
        out_shape=jax.ShapeDtypeStruct((rows, seq), x.dtype),
        compiler_params=pltpu.CompilerParams(
            dimension_semantics=("parallel",),
            vmem_limit_bytes=67108864,
        ),
    )(widx, mask0, mask1, x2)
    return out.reshape(batch, chans, seq)

# --- scband reference (transcript-rebuilt; emitter-appended) ---
"""Pipeline reference for scband-inference-masking-35811437314798 (READ-ONLY COPY).

The authoritative reference and input builder live on the scoring server;
editing this copy changes nothing except your own understanding.
"""

import jax, jax.numpy as jnp
import numpy as np

MASK_RATIO = 0.15

def setup_inputs(seed: int = 0) -> dict:
    key = jax.random.key(seed)
    kx, = jax.random.split(key, 1)
    x = jax.random.normal(kx, (128, 64, 8192), dtype=jnp.float32)
    return {"x": x, "window_idx": 0}

def reference(x, window_idx):
    if MASK_RATIO == 0.0:
        return x
    batch_size, n_channels, seq_len = x.shape
    n_mask = int(seq_len * MASK_RATIO)
    if n_mask > 0:
        perm = jax.random.permutation(jax.random.key(42), seq_len)
        mask_indices = perm[:n_mask]
        mask0 = jnp.ones(x.shape, dtype=bool)
        mask0 = mask0.at[:, :, mask_indices].set(False)
    else:
        mask0 = jnp.ones(x.shape, dtype=bool)
    mask1 = jnp.ones(x.shape, dtype=bool)
    mask1 = mask1.at[:, :, -1].set(False)
    mask = jnp.where(window_idx == 0, mask0, mask1)
    masked_x = x * mask
    return masked_x

if __name__ == "__main__":
    import jax
    _d = setup_inputs()
    print(jax.jit(kernel)(*tuple(_d.values())))

</pallas_src>

<mosaic_0001>
#map = affine_map<(d0, d1) -> (0)>
module attributes {stable_mosaic.version = 14 : i64} {
  func.func @sc_mask(%arg0: i32, %arg1: i32, %arg2: memref<8192xf32, #tpu.memory_space<hbm>>, %arg3: memref<1232xi32, #tpu.memory_space<hbm>>, %arg4: memref<8192xf32, #tpu.memory_space<hbm>>, %arg5: memref<1232xi32, #tpu.memory_space<vmem>>, %arg6: memref<8192xf32, #tpu.memory_space<vmem>>, %arg7: memref<!tpu.dma_semaphore, #tpu.memory_space<semaphore_mem>>, %arg8: memref<!tpu.dma_semaphore, #tpu.memory_space<semaphore_mem>>) attributes {dimension_semantics = [#tpu.dimension_semantics<core_parallel>, #tpu.dimension_semantics<subcore_parallel>], iteration_bounds = array<i64: 2, 16>, scalar_prefetch = 0 : i64, scratch_operands = 4 : i64, tpu.core_type = #tpu.core_type<sc_vector_subcore>, window_params = [{transform_indices = #map}, {transform_indices = #map}, {transform_indices = #map}]} {
    %mul3A = arith.constant 2 : i32
    %mul3A_0 = arith.muli %arg1, %mul3A : i32
    %add3A = arith.addi %mul3A_0, %arg0 : i32
    %eq3A = arith.constant 0 : i32
    %eq3A_1 = arith.cmpi eq, %add3A, %eq3A : i32
    %convert_element_type3A = arith.extui %eq3A_1 : i1 to i32
    %cond3A = arith.constant 0 : i32
    %cond3A_2 = arith.cmpi ne, %convert_element_type3A, %cond3A : i32
    scf.if %cond3A_2 {
      tpu.enqueue_dma source(%arg2 : memref<8192xf32, #tpu.memory_space<hbm>>) target(%arg6 : memref<8192xf32, #tpu.memory_space<vmem>>) target_semaphore(%arg7 : memref<!tpu.dma_semaphore, #tpu.memory_space<semaphore_mem>>)
      tpu.enqueue_dma source(%arg3 : memref<1232xi32, #tpu.memory_space<hbm>>) target(%arg5 : memref<1232xi32, #tpu.memory_space<vmem>>) target_semaphore(%arg8 : memref<!tpu.dma_semaphore, #tpu.memory_space<semaphore_mem>>)
      tpu.wait_dma2 semaphore(%arg7 : memref<!tpu.dma_semaphore, #tpu.memory_space<semaphore_mem>>) src(%arg2 : memref<8192xf32, #tpu.memory_space<hbm>>) dst(%arg6 : memref<8192xf32, #tpu.memory_space<vmem>>)
      tpu.wait_dma2 semaphore(%arg8 : memref<!tpu.dma_semaphore, #tpu.memory_space<semaphore_mem>>) src(%arg3 : memref<1232xi32, #tpu.memory_space<hbm>>) dst(%arg5 : memref<1232xi32, #tpu.memory_space<vmem>>)
      %broadcast_in_dim3A = arith.constant 0.000000e+00 : f32
      %broadcast_in_dim3A_3 = vector.broadcast %broadcast_in_dim3A : f32 to vector<16xf32>
      %get3A = arith.constant 0 : index
      %get3A_4 = tpu.vector_load %arg5[%get3A] {strides = array<i32>} : memref<1232xi32, #tpu.memory_space<vmem>>, vector<16xi32>,
      tpu.vector_store_idx %arg6[%get3A_4], %broadcast_in_dim3A_3 : memref<8192xf32, #tpu.memory_space<vmem>>[vector<16xi32>], vector<16xf32>,
      %get3A_5 = arith.constant 16 : index
      %get3A_6 = tpu.vector_load %arg5[%get3A_5] {strides = array<i32>} : memref<1232xi32, #tpu.memory_space<vmem>>, vector<16xi32>,
      tpu.vector_store_idx %arg6[%get3A_6], %broadcast_in_dim3A_3 : memref<8192xf32, #tpu.memory_space<vmem>>[vector<16xi32>], vector<16xf32>,
      %get3A_7 = arith.constant 32 : index
      %get3A_8 = tpu.vector_load %arg5[%get3A_7] {strides = array<i32>} : memref<1232xi32, #tpu.memory_space<vmem>>, vector<16xi32>,
      tpu.vector_store_idx %arg6[%get3A_8], %broadcast_in_dim3A_3 : memref<8192xf32, #tpu.memory_space<vmem>>[vector<16xi32>], vector<16xf32>,
      %get3A_9 = arith.constant 48 : index
      %get3A_10 = tpu.vector_load %arg5[%get3A_9] {strides = array<i32>} : memref<1232xi32, #tpu.memory_space<vmem>>, vector<16xi32>,
      tpu.vector_store_idx %arg6[%get3A_10], %broadcast_in_dim3A_3 : memref<8192xf32, #tpu.memory_space<vmem>>[vector<16xi32>], vector<16xf32>,
      %get3A_11 = arith.constant 64 : index
      %get3A_12 = tpu.vector_load %arg5[%get3A_11] {strides = array<i32>} : memref<1232xi32, #tpu.memory_space<vmem>>, vector<16xi32>,
      tpu.vector_store_idx %arg6[%get3A_12], %broadcast_in_dim3A_3 : memref<8192xf32, #tpu.memory_space<vmem>>[vector<16xi32>], vector<16xf32>,
      %get3A_13 = arith.constant 80 : index
      %get3A_14 = tpu.vector_load %arg5[%get3A_13] {strides = array<i32>} : memref<1232xi32, #tpu.memory_space<vmem>>, vector<16xi32>,
      tpu.vector_store_idx %arg6[%get3A_14], %broadcast_in_dim3A_3 : memref<8192xf32, #tpu.memory_space<vmem>>[vector<16xi32>], vector<16xf32>,
      %get3A_15 = arith.constant 96 : index
      %get3A_16 = tpu.vector_load %arg5[%get3A_15] {strides = array<i32>} : memref<1232xi32, #tpu.memory_space<vmem>>, vector<16xi32>,
      tpu.vector_store_idx %arg6[%get3A_16], %broadcast_in_dim3A_3 : memref<8192xf32, #tpu.memory_space<vmem>>[vector<16xi32>], vector<16xf32>,
      %get3A_17 = arith.constant 112 : index
      %get3A_18 = tpu.vector_load %arg5[%get3A_17] {strides = array<i32>} : memref<1232xi32, #tpu.memory_space<vmem>>, vector<16xi32>,
      tpu.vector_store_idx %arg6[%get3A_18], %broadcast_in_dim3A_3 : memref<8192xf32, #tpu.memory_space<vmem>>[vector<16xi32>], vector<16xf32>,
      %get3A_19 = arith.constant 128 : index
      %get3A_20 = tpu.vector_load %arg5[%get3A_19] {strides = array<i32>} : memref<1232xi32, #tpu.memory_space<vmem>>, vector<16xi32>,
      tpu.vector_store_idx %arg6[%get3A_20], %broadcast_in_dim3A_3 : memref<8192xf32, #tpu.memory_space<vmem>>[vector<16xi32>], vector<16xf32>,
      %get3A_21 = arith.constant 144 : index
      %get3A_22 = tpu.vector_load %arg5[%get3A_21] {strides = array<i32>} : memref<1232xi32, #tpu.memory_space<vmem>>, vector<16xi32>,
      tpu.vector_store_idx %arg6[%get3A_22], %broadcast_in_dim3A_3 : memref<8192xf32, #tpu.memory_space<vmem>>[vector<16xi32>], vector<16xf32>,
      %get3A_23 = arith.constant 160 : index
      %get3A_24 = tpu.vector_load %arg5[%get3A_23] {strides = array<i32>} : memref<1232xi32, #tpu.memory_space<vmem>>, vector<16xi32>,
      tpu.vector_store_idx %arg6[%get3A_24], %broadcast_in_dim3A_3 : memref<8192xf32, #tpu.memory_space<vmem>>[vector<16xi32>], vector<16xf32>,
      %get3A_25 = arith.constant 176 : index
      %get3A_26 = tpu.vector_load %arg5[%get3A_25] {strides = array<i32>} : memref<1232xi32, #tpu.memory_space<vmem>>, vector<16xi32>,
      tpu.vector_store_idx %arg6[%get3A_26], %broadcast_in_dim3A_3 : memref<8192xf32, #tpu.memory_space<vmem>>[vector<16xi32>], vector<16xf32>,
      %get3A_27 = arith.constant 192 : index
      %get3A_28 = tpu.vector_load %arg5[%get3A_27] {strides = array<i32>} : memref<1232xi32, #tpu.memory_space<vmem>>, vector<16xi32>,
      tpu.vector_store_idx %arg6[%get3A_28], %broadcast_in_dim3A_3 : memref<8192xf32, #tpu.memory_space<vmem>>[vector<16xi32>], vector<16xf32>,
      %get3A_29 = arith.constant 208 : index
      %get3A_30 = tpu.vector_load %arg5[%get3A_29] {strides = array<i32>} : memref<1232xi32, #tpu.memory_space<vmem>>, vector<16xi32>,
      tpu.vector_store_idx %arg6[%get3A_30], %broadcast_in_dim3A_3 : memref<8192xf32, #tpu.memory_space<vmem>>[vector<16xi32>], vector<16xf32>,
      %get3A_31 = arith.constant 224 : index
      %get3A_32 = tpu.vector_load %arg5[%get3A_31] {strides = array<i32>} : memref<1232xi32, #tpu.memory_space<vmem>>, vector<16xi32>,
      tpu.vector_store_idx %arg6[%get3A_32], %broadcast_in_dim3A_3 : memref<8192xf32, #tpu.memory_space<vmem>>[vector<16xi32>], vector<16xf32>,
      %get3A_33 = arith.constant 240 : index
      %get3A_34 = tpu.vector_load %arg5[%get3A_33] {strides = array<i32>} : memref<1232xi32, #tpu.memory_space<vmem>>, vector<16xi32>,
      tpu.vector_store_idx %arg6[%get3A_34], %broadcast_in_dim3A_3 : memref<8192xf32, #tpu.memory_space<vmem>>[vector<16xi32>], vector<16xf32>,
      %get3A_35 = arith.constant 256 : index
      %get3A_36 = tpu.vector_load %arg5[%get3A_35] {strides = array<i32>} : memref<1232xi32, #tpu.memory_space<vmem>>, vector<16xi32>,
      tpu.vector_store_idx %arg6[%get3A_36], %broadcast_in_dim3A_3 : memref<8192xf32, #tpu.memory_space<vmem>>[vector<16xi32>], vector<16xf32>,
      %get3A_37 = arith.constant 272 : index
      %get3A_38 = tpu.vector_load %arg5[%get3A_37] {strides = array<i32>} : memref<1232xi32, #tpu.memory_space<vmem>>, vector<16xi32>,
      tpu.vector_store_idx %arg6[%get3A_38], %broadcast_in_dim3A_3 : memref<8192xf32, #tpu.memory_space<vmem>>[vector<16xi32>], vector<16xf32>,
      %get3A_39 = arith.constant 288 : index
      %get3A_40 = tpu.vector_load %arg5[%get3A_39] {strides = array<i32>} : memref<1232xi32, #tpu.memory_space<vmem>>, vector<16xi32>,
      tpu.vector_store_idx %arg6[%get3A_40], %broadcast_in_dim3A_3 : memref<8192xf32, #tpu.memory_space<vmem>>[vector<16xi32>], vector<16xf32>,
      %get3A_41 = arith.constant 304 : index
      %get3A_42 = tpu.vector_load %arg5[%get3A_41] {strides = array<i32>} : memref<1232xi32, #tpu.memory_space<vmem>>, vector<16xi32>,
      tpu.vector_store_idx %arg6[%get3A_42], %broadcast_in_dim3A_3 : memref<8192xf32, #tpu.memory_space<vmem>>[vector<16xi32>], vector<16xf32>,
      %get3A_43 = arith.constant 320 : index
      %get3A_44 = tpu.vector_load %arg5[%get3A_43] {strides = array<i32>} : memref<1232xi32, #tpu.memory_space<vmem>>, vector<16xi32>,
      tpu.vector_store_idx %arg6[%get3A_44], %broadcast_in_dim3A_3 : memref<8192xf32, #tpu.memory_space<vmem>>[vector<16xi32>], vector<16xf32>,
      %get3A_45 = arith.constant 336 : index
      %get3A_46 = tpu.vector_load %arg5[%get3A_45] {strides = array<i32>} : memref<1232xi32, #tpu.memory_space<vmem>>, vector<16xi32>,
      tpu.vector_store_idx %arg6[%get3A_46], %broadcast_in_dim3A_3 : memref<8192xf32, #tpu.memory_space<vmem>>[vector<16xi32>], vector<16xf32>,
      %get3A_47 = arith.constant 352 : index
      %get3A_48 = tpu.vector_load %arg5[%get3A_47] {strides = array<i32>} : memref<1232xi32, #tpu.memory_space<vmem>>, vector<16xi32>,
      tpu.vector_store_idx %arg6[%get3A_48], %broadcast_in_dim3A_3 : memref<8192xf32, #tpu.memory_space<vmem>>[vector<16xi32>], vector<16xf32>,
      %get3A_49 = arith.constant 368 : index
      %get3A_50 = tpu.vector_load %arg5[%get3A_49] {strides = array<i32>} : memref<1232xi32, #tpu.memory_space<vmem>>, vector<16xi32>,
      tpu.vector_store_idx %arg6[%get3A_50], %broadcast_in_dim3A_3 : memref<8192xf32, #tpu.memory_space<vmem>>[vector<16xi32>], vector<16xf32>,
      %get3A_51 = arith.constant 384 : index
      %get3A_52 = tpu.vector_load %arg5[%get3A_51] {strides = array<i32>} : memref<1232xi32, #tpu.memory_space<vmem>>, vector<16xi32>,
      tpu.vector_store_idx %arg6[%get3A_52], %broadcast_in_dim3A_3 : memref<8192xf32, #tpu.memory_space<vmem>>[vector<16xi32>], vector<16xf32>,
      %get3A_53 = arith.constant 400 : index
      %get3A_54 = tpu.vector_load %arg5[%get3A_53] {strides = array<i32>} : memref<1232xi32, #tpu.memory_space<vmem>>, vector<16xi32>,
      tpu.vector_store_idx %arg6[%get3A_54], %broadcast_in_dim3A_3 : memref<8192xf32, #tpu.memory_space<vmem>>[vector<16xi32>], vector<16xf32>,
      %get3A_55 = arith.constant 416 : index
      %get3A_56 = tpu.vector_load %arg5[%get3A_55] {strides = array<i32>} : memref<1232xi32, #tpu.memory_space<vmem>>, vector<16xi32>,
      tpu.vector_store_idx %arg6[%get3A_56], %broadcast_in_dim3A_3 : memref<8192xf32, #tpu.memory_space<vmem>>[vector<16xi32>], vector<16xf32>,
      %get3A_57 = arith.constant 432 : index
      %get3A_58 = tpu.vector_load %arg5[%get3A_57] {strides = array<i32>} : memref<1232xi32, #tpu.memory_space<vmem>>, vector<16xi32>,
      tpu.vector_store_idx %arg6[%get3A_58], %broadcast_in_dim3A_3 : memref<8192xf32, #tpu.memory_space<vmem>>[vector<16xi32>], vector<16xf32>,
      %get3A_59 = arith.constant 448 : index
      %get3A_60 = tpu.vector_load %arg5[%get3A_59] {strides = array<i32>} : memref<1232xi32, #tpu.memory_space<vmem>>, vector<16xi32>,
      tpu.vector_store_idx %arg6[%get3A_60], %broadcast_in_dim3A_3 : memref<8192xf32, #tpu.memory_space<vmem>>[vector<16xi32>], vector<16xf32>,
      %get3A_61 = arith.constant 464 : index
      %get3A_62 = tpu.vector_load %arg5[%get3A_61] {strides = array<i32>} : memref<1232xi32, #tpu.memory_space<vmem>>, vector<16xi32>,
      tpu.vector_store_idx %arg6[%get3A_62], %broadcast_in_dim3A_3 : memref<8192xf32, #tpu.memory_space<vmem>>[vector<16xi32>], vector<16xf32>,
      %get3A_63 = arith.constant 480 : index
      %get3A_64 = tpu.vector_load %arg5[%get3A_63] {strides = array<i32>} : memref<1232xi32, #tpu.memory_space<vmem>>, vector<16xi32>,
      tpu.vector_store_idx %arg6[%get3A_64], %broadcast_in_dim3A_3 : memref<8192xf32, #tpu.memory_space<vmem>>[vector<16xi32>], vector<16xf32>,
      %get3A_65 = arith.constant 496 : index
      %get3A_66 = tpu.vector_load %arg5[%get3A_65] {strides = array<i32>} : memref<1232xi32, #tpu.memory_space<vmem>>, vector<16xi32>,
      tpu.vector_store_idx %arg6[%get3A_66], %broadcast_in_dim3A_3 : memref<8192xf32, #tpu.memory_space<vmem>>[vector<16xi32>], vector<16xf32>,
      %get3A_67 = arith.constant 512 : index
      %get3A_68 = tpu.vector_load %arg5[%get3A_67] {strides = array<i32>} : memref<1232xi32, #tpu.memory_space<vmem>>, vector<16xi32>,
      tpu.vector_store_idx %arg6[%get3A_68], %broadcast_in_dim3A_3 : memref<8192xf32, #tpu.memory_space<vmem>>[vector<16xi32>], vector<16xf32>,
      %get3A_69 = arith.constant 528 : index
      %get3A_70 = tpu.vector_load %arg5[%get3A_69] {strides = array<i32>} : memref<1232xi32, #tpu.memory_space<vmem>>, vector<16xi32>,
      tpu.vector_store_idx %arg6[%get3A_70], %broadcast_in_dim3A_3 : memref<8192xf32, #tpu.memory_space<vmem>>[vector<16xi32>], vector<16xf32>,
      %get3A_71 = arith.constant 544 : index
      %get3A_72 = tpu.vector_load %arg5[%get3A_71] {strides = array<i32>} : memref<1232xi32, #tpu.memory_space<vmem>>, vector<16xi32>,
      tpu.vector_store_idx %arg6[%get3A_72], %broadcast_in_dim3A_3 : memref<8192xf32, #tpu.memory_space<vmem>>[vector<16xi32>], vector<16xf32>,
      %get3A_73 = arith.constant 560 : index
      %get3A_74 = tpu.vector_load %arg5[%get3A_73] {strides = array<i32>} : memref<1232xi32, #tpu.memory_space<vmem>>, vector<16xi32>,
      tpu.vector_store_idx %arg6[%get3A_74], %broadcast_in_dim3A_3 : memref<8192xf32, #tpu.memory_space<vmem>>[vector<16xi32>], vector<16xf32>,
      %get3A_75 = arith.constant 576 : index
      %get3A_76 = tpu.vector_load %arg5[%get3A_75] {strides = array<i32>} : memref<1232xi32, #tpu.memory_space<vmem>>, vector<16xi32>,
      tpu.vector_store_idx %arg6[%get3A_76], %broadcast_in_dim3A_3 : memref<8192xf32, #tpu.memory_space<vmem>>[vector<16xi32>], vector<16xf32>,
      %get3A_77 = arith.constant 592 : index
      %get3A_78 = tpu.vector_load %arg5[%get3A_77] {strides = array<i32>} : memref<1232xi32, #tpu.memory_space<vmem>>, vector<16xi32>,
      tpu.vector_store_idx %arg6[%get3A_78], %broadcast_in_dim3A_3 : memref<8192xf32, #tpu.memory_space<vmem>>[vector<16xi32>], vector<16xf32>,
      %get3A_79 = arith.constant 608 : index
      %get3A_80 = tpu.vector_load %arg5[%get3A_79] {strides = array<i32>} : memref<1232xi32, #tpu.memory_space<vmem>>, vector<16xi32>,
      tpu.vector_store_idx %arg6[%get3A_80], %broadcast_in_dim3A_3 : memref<8192xf32, #tpu.memory_space<vmem>>[vector<16xi32>], vector<16xf32>,
      %get3A_81 = arith.constant 624 : index
      %get3A_82 = tpu.vector_load %arg5[%get3A_81] {strides = array<i32>} : memref<1232xi32, #tpu.memory_space<vmem>>, vector<16xi32>,
      tpu.vector_store_idx %arg6[%get3A_82], %broadcast_in_dim3A_3 : memref<8192xf32, #tpu.memory_space<vmem>>[vector<16xi32>], vector<16xf32>,
      %get3A_83 = arith.constant 640 : index
      %get3A_84 = tpu.vector_load %arg5[%get3A_83] {strides = array<i32>} : memref<1232xi32, #tpu.memory_space<vmem>>, vector<16xi32>,
      tpu.vector_store_idx %arg6[%get3A_84], %broadcast_in_dim3A_3 : memref<8192xf32, #tpu.memory_space<vmem>>[vector<16xi32>], vector<16xf32>,
      %get3A_85 = arith.constant 656 : index
      %get3A_86 = tpu.vector_load %arg5[%get3A_85] {strides = array<i32>} : memref<1232xi32, #tpu.memory_space<vmem>>, vector<16xi32>,
      tpu.vector_store_idx %arg6[%get3A_86], %broadcast_in_dim3A_3 : memref<8192xf32, #tpu.memory_space<vmem>>[vector<16xi32>], vector<16xf32>,
      %get3A_87 = arith.constant 672 : index
      %get3A_88 = tpu.vector_load %arg5[%get3A_87] {strides = array<i32>} : memref<1232xi32, #tpu.memory_space<vmem>>, vector<16xi32>,
      tpu.vector_store_idx %arg6[%get3A_88], %broadcast_in_dim3A_3 : memref<8192xf32, #tpu.memory_space<vmem>>[vector<16xi32>], vector<16xf32>,
      %get3A_89 = arith.constant 688 : index
      %get3A_90 = tpu.vector_load %arg5[%get3A_89] {strides = array<i32>} : memref<1232xi32, #tpu.memory_space<vmem>>, vector<16xi32>,
      tpu.vector_store_idx %arg6[%get3A_90], %broadcast_in_dim3A_3 : memref<8192xf32, #tpu.memory_space<vmem>>[vector<16xi32>], vector<16xf32>,
      %get3A_91 = arith.constant 704 : index
      %get3A_92 = tpu.vector_load %arg5[%get3A_91] {strides = array<i32>} : memref<1232xi32, #tpu.memory_space<vmem>>, vector<16xi32>,
      tpu.vector_store_idx %arg6[%get3A_92], %broadcast_in_dim3A_3 : memref<8192xf32, #tpu.memory_space<vmem>>[vector<16xi32>], vector<16xf32>,
      %get3A_93 = arith.constant 720 : index
      %get3A_94 = tpu.vector_load %arg5[%get3A_93] {strides = array<i32>} : memref<1232xi32, #tpu.memory_space<vmem>>, vector<16xi32>,
      tpu.vector_store_idx %arg6[%get3A_94], %broadcast_in_dim3A_3 : memref<8192xf32, #tpu.memory_space<vmem>>[vector<16xi32>], vector<16xf32>,
      %get3A_95 = arith.constant 736 : index
      %get3A_96 = tpu.vector_load %arg5[%get3A_95] {strides = array<i32>} : memref<1232xi32, #tpu.memory_space<vmem>>, vector<16xi32>,
      tpu.vector_store_idx %arg6[%get3A_96], %broadcast_in_dim3A_3 : memref<8192xf32, #tpu.memory_space<vmem>>[vector<16xi32>], vector<16xf32>,
      %get3A_97 = arith.constant 752 : index
      %get3A_98 = tpu.vector_load %arg5[%get3A_97] {strides = array<i32>} : memref<1232xi32, #tpu.memory_space<vmem>>, vector<16xi32>,
      tpu.vector_store_idx %arg6[%get3A_98], %broadcast_in_dim3A_3 : memref<8192xf32, #tpu.memory_space<vmem>>[vector<16xi32>], vector<16xf32>,
      %get3A_99 = arith.constant 768 : index
      %get3A_100 = tpu.vector_load %arg5[%get3A_99] {strides = array<i32>} : memref<1232xi32, #tpu.memory_space<vmem>>, vector<16xi32>,
      tpu.vector_store_idx %arg6[%get3A_100], %broadcast_in_dim3A_3 : memref<8192xf32, #tpu.memory_space<vmem>>[vector<16xi32>], vector<16xf32>,
      %get3A_101 = arith.constant 784 : index
      %get3A_102 = tpu.vector_load %arg5[%get3A_101] {strides = array<i32>} : memref<1232xi32, #tpu.memory_space<vmem>>, vector<16xi32>,
      tpu.vector_store_idx %arg6[%get3A_102], %broadcast_in_dim3A_3 : memref<8192xf32, #tpu.memory_space<vmem>>[vector<16xi32>], vector<16xf32>,
      %get3A_103 = arith.constant 800 : index
      %get3A_104 = tpu.vector_load %arg5[%get3A_103] {strides = array<i32>} : memref<1232xi32, #tpu.memory_space<vmem>>, vector<16xi32>,
      tpu.vector_store_idx %arg6[%get3A_104], %broadcast_in_dim3A_3 : memref<8192xf32, #tpu.memory_space<vmem>>[vector<16xi32>], vector<16xf32>,
      %get3A_105 = arith.constant 816 : index
      %get3A_106 = tpu.vector_load %arg5[%get3A_105] {strides = array<i32>} : memref<1232xi32, #tpu.memory_space<vmem>>, vector<16xi32>,
      tpu.vector_store_idx %arg6[%get3A_106], %broadcast_in_dim3A_3 : memref<8192xf32, #tpu.memory_space<vmem>>[vector<16xi32>], vector<16xf32>,
      %get3A_107 = arith.constant 832 : index
      %get3A_108 = tpu.vector_load %arg5[%get3A_107] {strides = array<i32>} : memref<1232xi32, #tpu.memory_space<vmem>>, vector<16xi32>,
      tpu.vector_store_idx %arg6[%get3A_108], %broadcast_in_dim3A_3 : memref<8192xf32, #tpu.memory_space<vmem>>[vector<16xi32>], vector<16xf32>,
      %get3A_109 = arith.constant 848 : index
      %get3A_110 = tpu.vector_load %arg5[%get3A_109] {strides = array<i32>} : memref<1232xi32, #tpu.memory_space<vmem>>, vector<16xi32>,
      tpu.vector_store_idx %arg6[%get3A_110], %broadcast_in_dim3A_3 : memref<8192xf32, #tpu.memory_space<vmem>>[vector<16xi32>], vector<16xf32>,
      %get3A_111 = arith.constant 864 : index
      %get3A_112 = tpu.vector_load %arg5[%get3A_111] {strides = array<i32>} : memref<1232xi32, #tpu.memory_space<vmem>>, vector<16xi32>,
      tpu.vector_store_idx %arg6[%get3A_112], %broadcast_in_dim3A_3 : memref<8192xf32, #tpu.memory_space<vmem>>[vector<16xi32>], vector<16xf32>,
      %get3A_113 = arith.constant 880 : index
      %get3A_114 = tpu.vector_load %arg5[%get3A_113] {strides = array<i32>} : memref<1232xi32, #tpu.memory_space<vmem>>, vector<16xi32>,
      tpu.vector_store_idx %arg6[%get3A_114], %broadcast_in_dim3A_3 : memref<8192xf32, #tpu.memory_space<vmem>>[vector<16xi32>], vector<16xf32>,
      %get3A_115 = arith.constant 896 : index
      %get3A_116 = tpu.vector_load %arg5[%get3A_115] {strides = array<i32>} : memref<1232xi32, #tpu.memory_space<vmem>>, vector<16xi32>,
      tpu.vector_store_idx %arg6[%get3A_116], %broadcast_in_dim3A_3 : memref<8192xf32, #tpu.memory_space<vmem>>[vector<16xi32>], vector<16xf32>,
      %get3A_117 = arith.constant 912 : index
      %get3A_118 = tpu.vector_load %arg5[%get3A_117] {strides = array<i32>} : memref<1232xi32, #tpu.memory_space<vmem>>, vector<16xi32>,
      tpu.vector_store_idx %arg6[%get3A_118], %broadcast_in_dim3A_3 : memref<8192xf32, #tpu.memory_space<vmem>>[vector<16xi32>], vector<16xf32>,
      %get3A_119 = arith.constant 928 : index
      %get3A_120 = tpu.vector_load %arg5[%get3A_119] {strides = array<i32>} : memref<1232xi32, #tpu.memory_space<vmem>>, vector<16xi32>,
      tpu.vector_store_idx %arg6[%get3A_120], %broadcast_in_dim3A_3 : memref<8192xf32, #tpu.memory_space<vmem>>[vector<16xi32>], vector<16xf32>,
      %get3A_121 = arith.constant 944 : index
      %get3A_122 = tpu.vector_load %arg5[%get3A_121] {strides = array<i32>} : memref<1232xi32, #tpu.memory_space<vmem>>, vector<16xi32>,
      tpu.vector_store_idx %arg6[%get3A_122], %broadcast_in_dim3A_3 : memref<8192xf32, #tpu.memory_space<vmem>>[vector<16xi32>], vector<16xf32>,
      %get3A_123 = arith.constant 960 : index
      %get3A_124 = tpu.vector_load %arg5[%get3A_123] {strides = array<i32>} : memref<1232xi32, #tpu.memory_space<vmem>>, vector<16xi32>,
      tpu.vector_store_idx %arg6[%get3A_124], %broadcast_in_dim3A_3 : memref<8192xf32, #tpu.memory_space<vmem>>[vector<16xi32>], vector<16xf32>,
      %get3A_125 = arith.constant 976 : index
      %get3A_126 = tpu.vector_load %arg5[%get3A_125] {strides = array<i32>} : memref<1232xi32, #tpu.memory_space<vmem>>, vector<16xi32>,
      tpu.vector_store_idx %arg6[%get3A_126], %broadcast_in_dim3A_3 : memref<8192xf32, #tpu.memory_space<vmem>>[vector<16xi32>], vector<16xf32>,
      %get3A_127 = arith.constant 992 : index
      %get3A_128 = tpu.vector_load %arg5[%get3A_127] {strides = array<i32>} : memref<1232xi32, #tpu.memory_space<vmem>>, vector<16xi32>,
      tpu.vector_store_idx %arg6[%get3A_128], %broadcast_in_dim3A_3 : memref<8192xf32, #tpu.memory_space<vmem>>[vector<16xi32>], vector<16xf32>,
      %get3A_129 = arith.constant 1008 : index
      %get3A_130 = tpu.vector_load %arg5[%get3A_129] {strides = array<i32>} : memref<1232xi32, #tpu.memory_space<vmem>>, vector<16xi32>,
      tpu.vector_store_idx %arg6[%get3A_130], %broadcast_in_dim3A_3 : memref<8192xf32, #tpu.memory_space<vmem>>[vector<16xi32>], vector<16xf32>,
      %get3A_131 = arith.constant 1024 : index
      %get3A_132 = tpu.vector_load %arg5[%get3A_131] {strides = array<i32>} : memref<1232xi32, #tpu.memory_space<vmem>>, vector<16xi32>,
      tpu.vector_store_idx %arg6[%get3A_132], %broadcast_in_dim3A_3 : memref<8192xf32, #tpu.memory_space<vmem>>[vector<16xi32>], vector<16xf32>,
      %get3A_133 = arith.constant 1040 : index
      %get3A_134 = tpu.vector_load %arg5[%get3A_133] {strides = array<i32>} : memref<1232xi32, #tpu.memory_space<vmem>>, vector<16xi32>,
      tpu.vector_store_idx %arg6[%get3A_134], %broadcast_in_dim3A_3 : memref<8192xf32, #tpu.memory_space<vmem>>[vector<16xi32>], vector<16xf32>,
      %get3A_135 = arith.constant 1056 : index
      %get3A_136 = tpu.vector_load %arg5[%get3A_135] {strides = array<i32>} : memref<1232xi32, #tpu.memory_space<vmem>>, vector<16xi32>,
      tpu.vector_store_idx %arg6[%get3A_136], %broadcast_in_dim3A_3 : memref<8192xf32, #tpu.memory_space<vmem>>[vector<16xi32>], vector<16xf32>,
      %get3A_137 = arith.constant 1072 : index
      %get3A_138 = tpu.vector_load %arg5[%get3A_137] {strides = array<i32>} : memref<1232xi32, #tpu.memory_space<vmem>>, vector<16xi32>,
      tpu.vector_store_idx %arg6[%get3A_138], %broadcast_in_dim3A_3 : memref<8192xf32, #tpu.memory_space<vmem>>[vector<16xi32>], vector<16xf32>,
      %get3A_139 = arith.constant 1088 : index
      %get3A_140 = tpu.vector_load %arg5[%get3A_139] {strides = array<i32>} : memref<1232xi32, #tpu.memory_space<vmem>>, vector<16xi32>,
      tpu.vector_store_idx %arg6[%get3A_140], %broadcast_in_dim3A_3 : memref<8192xf32, #tpu.memory_space<vmem>>[vector<16xi32>], vector<16xf32>,
      %get3A_141 = arith.constant 1104 : index
      %get3A_142 = tpu.vector_load %arg5[%get3A_141] {strides = array<i32>} : memref<1232xi32, #tpu.memory_space<vmem>>, vector<16xi32>,
      tpu.vector_store_idx %arg6[%get3A_142], %broadcast_in_dim3A_3 : memref<8192xf32, #tpu.memory_space<vmem>>[vector<16xi32>], vector<16xf32>,
      %get3A_143 = arith.constant 1120 : index
      %get3A_144 = tpu.vector_load %arg5[%get3A_143] {strides = array<i32>} : memref<1232xi32, #tpu.memory_space<vmem>>, vector<16xi32>,
      tpu.vector_store_idx %arg6[%get3A_144], %broadcast_in_dim3A_3 : memref<8192xf32, #tpu.memory_space<vmem>>[vector<16xi32>], vector<16xf32>,
      %get3A_145 = arith.constant 1136 : index
      %get3A_146 = tpu.vector_load %arg5[%get3A_145] {strides = array<i32>} : memref<1232xi32, #tpu.memory_space<vmem>>, vector<16xi32>,
      tpu.vector_store_idx %arg6[%get3A_146], %broadcast_in_dim3A_3 : memref<8192xf32, #tpu.memory_space<vmem>>[vector<16xi32>], vector<16xf32>,
      %get3A_147 = arith.constant 1152 : index
      %get3A_148 = tpu.vector_load %arg5[%get3A_147] {strides = array<i32>} : memref<1232xi32, #tpu.memory_space<vmem>>, vector<16xi32>,
      tpu.vector_store_idx %arg6[%get3A_148], %broadcast_in_dim3A_3 : memref<8192xf32, #tpu.memory_space<vmem>>[vector<16xi32>], vector<16xf32>,
      %get3A_149 = arith.constant 1168 : index
      %get3A_150 = tpu.vector_load %arg5[%get3A_149] {strides = array<i32>} : memref<1232xi32, #tpu.memory_space<vmem>>, vector<16xi32>,
      tpu.vector_store_idx %arg6[%get3A_150], %broadcast_in_dim3A_3 : memref<8192xf32, #tpu.memory_space<vmem>>[vector<16xi32>], vector<16xf32>,
      %get3A_151 = arith.constant 1184 : index
      %get3A_152 = tpu.vector_load %arg5[%get3A_151] {strides = array<i32>} : memref<1232xi32, #tpu.memory_space<vmem>>, vector<16xi32>,
      tpu.vector_store_idx %arg6[%get3A_152], %broadcast_in_dim3A_3 : memref<8192xf32, #tpu.memory_space<vmem>>[vector<16xi32>], vector<16xf32>,
      %get3A_153 = arith.constant 1200 : index
      %get3A_154 = tpu.vector_load %arg5[%get3A_153] {strides = array<i32>} : memref<1232xi32, #tpu.memory_space<vmem>>, vector<16xi32>,
      tpu.vector_store_idx %arg6[%get3A_154], %broadcast_in_dim3A_3 : memref<8192xf32, #tpu.memory_space<vmem>>[vector<16xi32>], vector<16xf32>,
      %get3A_155 = arith.constant 1216 : index
      %get3A_156 = tpu.vector_load %arg5[%get3A_155] {strides = array<i32>} : memref<1232xi32, #tpu.memory_space<vmem>>, vector<16xi32>,
      tpu.vector_store_idx %arg6[%get3A_156], %broadcast_in_dim3A_3 : memref<8192xf32, #tpu.memory_space<vmem>>[vector<16xi32>], vector<16xf32>,
      "tpu.region"() ({
        %run_scoped3A = tpu.sem_alloc : memref<!tpu.dma_semaphore, #tpu.memory_space<semaphore_mem>>
        tpu.enqueue_dma source(%arg6 : memref<8192xf32, #tpu.memory_space<vmem>>) target(%arg4 : memref<8192xf32, #tpu.memory_space<hbm>>) target_semaphore(%run_scoped3A : memref<!tpu.dma_semaphore, #tpu.memory_space<semaphore_mem>>)
        tpu.wait_dma2 semaphore(%run_scoped3A : memref<!tpu.dma_semaphore, #tpu.memory_space<semaphore_mem>>) src(%arg6 : memref<8192xf32, #tpu.memory_space<vmem>>) dst(%arg4 : memref<8192xf32, #tpu.memory_space<hbm>>)
        tpu.yield
      }) : () -> ()
    } else {
    }
    return
  }
}

module attributes {stable_mosaic.version = 14 : i64} {
  func.func @_mask_body(%arg0: i32, %arg1: memref<1xi32, #tpu.memory_space<smem>>, %arg2: memref<1x8192xf32, #tpu.memory_space<vmem>>, %arg3: memref<1x8192xf32, #tpu.memory_space<vmem>>, %arg4: memref<496x8192xf32, #tpu.memory_space<vmem>>, %arg5: memref<496x8192xf32, #tpu.memory_space<vmem>>) attributes {dimension_semantics = [#tpu.dimension_semantics<parallel>], iteration_bounds = array<i64: 17>, scalar_prefetch = 0 : i64, scratch_operands = 0 : i64, tpu.core_type = #tpu.core_type<tc>, window_params = [{transform_indices = @transform_0, window_bounds = array<i64: 1>}, {pipeline_mode = #tpu.pipeline_mode<synchronous>, transform_indices = @transform_1, window_bounds = array<i64: 1, 8192>}, {pipeline_mode = #tpu.pipeline_mode<synchronous>, transform_indices = @transform_2, window_bounds = array<i64: 1, 8192>}, {transform_indices = @transform_3, window_bounds = array<i64: 496, 8192>}, {transform_indices = @transform_4, window_bounds = array<i64: 496, 8192>}]} {
    %get3A = arith.constant 0 : index
    %get3A_0 = memref.load %arg1[%get3A] : memref<1xi32, #tpu.memory_space<smem>>
    %eq3A = arith.constant 0 : i32
    %eq3A_1 = arith.cmpi eq, %get3A_0, %eq3A : i32
    %get3A_2 = arith.constant 0 : index
    %get3A_3 = arith.constant 0 : index
    %get3A_4 = vector.load %arg2[%get3A_2, %get3A_3] : memref<1x8192xf32, #tpu.memory_space<vmem>>, vector<1x8192xf32>
    %get3A_5 = arith.constant 0 : index
    %get3A_6 = arith.constant 0 : index
    %get3A_7 = vector.load %arg3[%get3A_5, %get3A_6] : memref<1x8192xf32, #tpu.memory_space<vmem>>, vector<1x8192xf32>
    %select_n3A = arith.select %eq3A_1, %get3A_4, %get3A_7 : vector<1x8192xf32>
    %get3A_8 = arith.constant 0 : index
    %get3A_9 = arith.constant 0 : index
    %get3A_10 = vector.load %arg4[%get3A_8, %get3A_9] : memref<496x8192xf32, #tpu.memory_space<vmem>>, vector<496x8192xf32>
    %mul3A = vector.broadcast %select_n3A : vector<1x8192xf32> to vector<496x8192xf32>
    %mul3A_11 = arith.mulf %get3A_10, %mul3A : vector<496x8192xf32>
    %swap3A = arith.constant 0 : index
    %swap3A_12 = arith.constant 0 : index
    %swap3A_13 = vector.load %arg5[%swap3A, %swap3A_12] : memref<496x8192xf32, #tpu.memory_space<vmem>>, vector<496x8192xf32>
    tpu.vector_store %arg5[%swap3A, %swap3A_12], %mul3A_11 {strides = array<i32>} : memref<496x8192xf32, #tpu.memory_space<vmem>>, vector<496x8192xf32>,
    return
  }
  func.func @transform_0(%arg0: i32) -> i32 {
    %c0_i32 = arith.constant 0 : i32
    %c0_i32_0 = arith.constant 0 : i32
    return %c0_i32 : i32
  }
  func.func @transform_1(%arg0: i32) -> (i32, i32) {
    %c0_i32 = arith.constant 0 : i32
    %c0_i32_0 = arith.constant 0 : i32
    %c0_i32_1 = arith.constant 0 : i32
    return %c0_i32, %c0_i32_0 : i32, i32
  }
  func.func @transform_2(%arg0: i32) -> (i32, i32) {
    %c0_i32 = arith.constant 0 : i32
    %c0_i32_0 = arith.constant 0 : i32
    %c0_i32_1 = arith.constant 0 : i32
    return %c0_i32, %c0_i32_0 : i32, i32
  }
  func.func @transform_3(%arg0: i32) -> (i32, i32) {
    %c0_i32 = arith.constant 0 : i32
    %c0_i32_0 = arith.constant 0 : i32
    return %arg0, %c0_i32 : i32, i32
  }
  func.func @transform_4(%arg0: i32) -> (i32, i32) {
    %c0_i32 = arith.constant 0 : i32
    %c0_i32_0 = arith.constant 0 : i32
    return %arg0, %c0_i32 : i32, i32
  }
}

</mosaic_0001>

<sc_bundles>
// kernel: kernel.4.cloned.1.call-start
scs
__scs_entry_jumppad:
0x0: {  	(pc) =	sbr.rel $0x88, $3  }
0x1: {  	(tag) =	ssettag $0x0;
	lr =	simm.s32 $0x1  }
0x2: {  	[smem:$0x3F9F] =	sst lr;
	_ =	strace $0xD0000000  }
0x3: {  	_ = 	snop  }
0x4: {  	_ = 	snop  }
0x5: {  	_ = 	snop  }
0x6: {  	_ = 	snop  }
0x7: {  	_ = 	snop  }
__scs_overlays_trampoline_lowered:
0x8: {  	[smem:$0x3FAE] =	sst s0  }
0x9: {  	[smem:$0x3FAF] =	sst s1  }
0xa: {  	[smem:$0x3FB0] =	sst s2  }
0xb: {  	[smem:$0x3FB1] =	sst s3  }
0xc: {  	[smem:$0x3FB2] =	sst s4  }
0xd: {  	[smem:$0x3FB3] =	sst s5  }
0xe: {  	[smem:$0x3FB4] =	sst s6  }
0xf: {  	[smem:$0x3FB5] =	sst s7  }
0x10: {  	[smem:$0x3FB6] =	sst s8  }
0x11: {  	[smem:$0x3FB7] =	sst s9;
	s0 =	simm.s32 @!p0 $0x0  }
0x12: {  	s1 =	sld [smem:$0x3F9D];
	s0 =	simm.s32 @p0 $0x1  }
0x13: {  	[smem:$0x3FB8] =	sst s0;
	s0 =	simm.s32 @!p1 $0x0  }
0x14: {  	s2 =	sld [smem:$0x3F9C];
	s0 =	simm.s32 @p1 $0x1  }
0x15: {  	[smem:$0x3FB9] =	sst s0;
	s0 =	simm.s32 @!p2 $0x0  }
0x16: {  	s3 =	sld [smem:$0x3FDB];
	s0 =	simm.s32 @p2 $0x1  }
0x17: {  	s4 =	simm.s32 $0x1BF5;
	[smem:$0x3FBB] =	sst s0  }
0x18: {  	s0 =	sld [smem:$0x3F9E];
	_ =	swait.ge [sflag:s4], $0x0  }
0x19: {  	s7 =	sld [smem:$0x3F9F]  }
0x1a: {  	s8 =	sadd.s32 $0xFFFFE003, lr  }
0x1b: {  	s9 =	sadd.s32 $0xFFFFFEF7, lr;
	s5 =	simm.s32 $0xFFFFFFFF;
	p2 =	slt.u32 s8, $0xFFFFF086  }
0x1c: {  	p1 =	slt.u32 s9, $0xF7A;
	s5 =	simm.s32 @!p2 $0x0  }
0x1d: {  	s5 =	simm.s32 @p1 $0x1;
	p0 =	seq.s32 s7, s2  }
0x1e: {  	s7 =	smul.u32 @!p0 $0xF7A, s2;
	p2 =	seq.s32 @!p0 s5, $0x0  }
0x1f: {  	s9 =	smul.u32 $0xF7A, s1;
	s8 =	simm.s32 @!p0 $0x1BF5;
	p2 =	por !p2, p0  }
0x20: {  	[sflag:s8] =	ssyncset.s32 @!p0 $0xFFFFF086;
	s6 =	sadd.s32 @!p0 s3, s7;
	s7 =	simm.s32 @!p0 $0x108  }
0x21: {  	s3 =	sadd.s32 s3, s9;
	s6 =	sadd.s32 @!p0 $0x88, s6;
	s7 =	simm.s32 @p2 $0x1082  }
0x22: {  	[simem:s7], [sflag:s8] =	dma.local @!p0 [hbm:s6], $0xF7A  }
0x23: {  	s9 =	sor.u32 $0xD0000000, s2;
	s6 =	simm.s32 $0x108;
	_ =	swait.ge @!p0 [sflag:s8], $0x0  }
0x24: {  	s3 =	sadd.s32 $0x88, s3;
	s6 =	simm.s32 @!p1 $0x1082;
	[sflag:s4] =	ssyncset.s32 $0xFFFFF086  }
0x25: {  	[simem:s6], [sflag:s4] =	dma.local [hbm:s3], $0xF7A  }
0x26: {  	[smem:$0x3F9F] =	sst s1;
	(tag) =	ssettag s2;
	_ =	strace s9  }
0x27: {  	s1 =	sld [smem:$0x3FAF]  }
0x28: {  	s2 =	sld [smem:$0x3FB0]  }
0x29: {  	s4 =	sld [smem:$0x3FB2]  }
0x2a: {  	p0 =	seq.s32 s5, $0x0;
	s5 =	sld [smem:$0x3FB3]  }
0x2b: {  	s6 =	sld [smem:$0x3FB4]  }
0x2c: {  	s7 =	sld [smem:$0x3FB5]  }
0x2d: {  	s3 =	simm.s32 $0x108;
	s8 =	sld [smem:$0x3FB6]  }
0x2e: {  	s3 =	simm.s32 @!p0 $0x1082;
	s9 =	sld [smem:$0x3FB7]  }
0x2f: {  	lr =	sadd.s32 s0, s3;
	s0 =	sld [smem:$0x3FAE]  }
0x30: {  	s3 =	sld [smem:$0x3FB1]  }
0x31: {  	[smem:$0x3FBA] =	sst s10  }
0x32: {  	s10 =	sld [smem:$0x3FB8];
	_ =	sdelay $0x3  }
0x33: {  	p0 =	seq.s32 s10, $0x1;
	s10 =	sld [smem:$0x3FBA];
	_ =	sdelay $0x3  }
0x34: {  	[smem:$0x3FBA] =	sst s10  }
0x35: {  	s10 =	sld [smem:$0x3FB9];
	_ =	sdelay $0x3  }
0x36: {  	p1 =	seq.s32 s10, $0x1;
	s10 =	sld [smem:$0x3FBA];
	_ =	sdelay $0x3  }
0x37: {  	[smem:$0x3FBA] =	sst s10  }
0x38: {  	s10 =	sld [smem:$0x3FBB]  }
0x39: {  	_ = 	snop;
	(pc) =	sbr.ind lr, $3  }
0x3a: {  	_ = 	snop  }
0x3b: {  	_ = 	snop  }
0x3c: {  	p2 =	seq.s32 s10, $0x1;
	s10 =	sld [smem:$0x3FBA]  }
0x3d: {  	_ =	shalt  }
0x3e: {  	_ =	shalt  }
0x3f: {  	_ =	shalt  }
0x40: {  	_ =	shalt  }
0x41: {  	_ =	shalt  }
0x42: {  	_ =	shalt  }
0x43: {  	_ =	shalt  }
0x44: {  	_ =	shalt  }
0x45: {  	_ =	shalt  }
0x46: {  	_ =	shalt  }
0x47: {  	_ =	shalt  }
0x48: {  	_ =	shalt  }
0x49: {  	_ =	shalt  }
0x4a: {  	_ =	shalt  }
0x4b: {  	_ =	shalt  }
0x4c: {  	_ =	shalt  }
0x4d: {  	_ =	shalt  }
0x4e: {  	_ =	shalt  }
0x4f: {  	_ =	shalt  }
0x50: {  	_ =	shalt  }
0x51: {  	_ =	shalt  }
0x52: {  	_ =	shalt  }
0x53: {  	_ =	shalt  }
0x54: {  	_ =	shalt  }
0x55: {  	_ =	shalt  }
0x56: {  	_ =	shalt  }
0x57: {  	_ =	shalt  }
0x58: {  	_ =	shalt  }
0x59: {  	_ =	shalt  }
0x5a: {  	_ =	shalt  }
0x5b: {  	_ =	shalt  }
0x5c: {  	_ =	shalt  }
0x5d: {  	_ =	shalt  }
0x5e: {  	_ =	shalt  }
0x5f: {  	_ =	shalt  }
0x60: {  	_ =	shalt  }
0x61: {  	_ =	shalt  }
0x62: {  	_ =	shalt  }
0x63: {  	_ =	shalt  }
0x64: {  	_ =	shalt  }
0x65: {  	_ =	shalt  }
0x66: {  	_ =	shalt  }
0x67: {  	_ =	shalt  }
0x68: {  	_ =	shalt  }
0x69: {  	_ =	shalt  }
0x6a: {  	_ =	shalt  }
0x6b: {  	_ =	shalt  }
0x6c: {  	_ =	shalt  }
0x6d: {  	_ =	shalt  }
0x6e: {  	_ =	shalt  }
0x6f: {  	_ =	shalt  }
0x70: {  	_ =	shalt  }
0x71: {  	_ =	shalt  }
0x72: {  	_ =	shalt  }
0x73: {  	_ =	shalt  }
0x74: {  	_ =	shalt  }
0x75: {  	_ =	shalt  }
0x76: {  	_ =	shalt  }
0x77: {  	_ =	shalt  }
0x78: {  	_ =	shalt  }
0x79: {  	_ =	shalt  }
0x7a: {  	_ =	shalt  }
0x7b: {  	_ =	shalt  }
0x7c: {  	_ =	shalt  }
0x7d: {  	_ =	shalt  }
0x7e: {  	_ =	shalt  }
0x7f: {  	_ =	shalt  }
0x80: {  	_ =	shalt  }
0x81: {  	_ =	shalt  }
0x82: {  	_ =	shalt  }
0x83: {  	_ =	shalt  }
0x84: {  	_ =	shalt  }
0x85: {  	_ =	shalt  }
0x86: {  	_ =	shalt  }
0x87: {  	_ =	shalt  }
.Lfunc_end0:
.L_simem_size_0:
called_computation_lowered:
.L_overlay_start_0:
0x88: {  	s2 =	sld [smem:$0x3FD9]  }
0x89: {  	s3 =	sld [smem:$0x3FFE];
	_ =	sdelay $0x1  }
0x8a: {  	s1 =	srdreg.scid  }
0x8b: {  	s0 =	sand.u32 $0x1, s1  }
0x8c: {  	s17 =	sshll.u32 s0, $0xA;
	s2 =	sadd.s32 s3, s2  }
0x8d: {  	s2 =	sadd.s32 s2, s17  }
0x8e: {  	[smem:$0x3FC6] =	sst s2  }
0x8f: {  	_ = 	snop  }
0x90: {  	s2 =	sld [smem:$0x3FD0];
	(tm) =	ssettm $0x1  }
0x91: {  	s18 =	sld [smem:$0x3FFB];
	_ =	sdelay $0x3  }
0x92: {  	_ =	strace s18  }
0x93: {  	s3 =	sld [smem:$0x3FFC];
	_ =	sdelay $0x3  }
0x94: {  	_ =	strace s3  }
0x95: {  	s3 =	sld [smem:$0x3FFD];
	_ =	sdelay $0x3  }
0x96: {  	_ =	strace s3  }
0x97: {  	_ =	strace $0x8FFFFFFF  }
0x98: {  	s19 =	sld [smem:$0x3FDB];
	_ =	sdelay $0x1  }
0x99: {  	s4 =	simm.s32 $_scs_section_size  }
0x9a: {  	s5 =	simm.s32 $_size__tile_overlayer_lowered;
	s6 =	simm.s32 $_tile_overlayer_lowered  }
0x9b: {  	s22 =	simm.s32 $0x1BFF;
	s21 =	sshll.u32 s6, $0x1;
	s3 =	sadd.s32 s4, s19  }
0x9c: {  	s7 =	simm.s32 $0x0;
	s20 =	sshll.u32 s5, $0x1;
	s5 =	sadd.s32 s21, s3  }
0x9d: {  	[timem:s7], [sflag:s22] =	dma.local [hbm:s5], s20  }
0x9e: {  	_ =	swait.ge [sflag:s22], s20  }
0x9f: {  	s4 =	ssub.s32 $0x0, s20;
	[sflag:s22] =	ssyncset.done $0x0  }
0xa0: {  	[sflag:s22] =	ssyncadd.s32 s4;
	_ =	sdelay $0x1  }
0xa1: {  	s23 =	simm.s32 $0x1B8B  }
0xa2: {  	_ =	swait.ge [sflag:s23], $0x1  }
0xa3: {  	[sflag:s23] =	ssyncset.done $0x0  }
0xa4: {  	s25 =	simm.s32 $0x1B8E;
	s24 =	sld [smem:$0x3FFE];
	[sflag:s23] =	ssyncadd.s32 $0xFFFFFFFF  }
0xa5: {  	s26 =	simm.s32 $execute0_lowered;
	[smem:$0x3FD2] =	sst s25  }
0xa6: {  	s5 =	sshll.u32 s26, $0x1;
	_ =	strace $0x80000046;
	[dreg:$0x1] =	wrdreg $0xFFFFFFFF  }
0xa7: {  	s28 =	simm.s32 $_size_execute0_lowered;
	s3 =	sadd.s32 s3, s5;
	[dreg:$0x0] =	wrdreg $0x0  }
0xa8: {  	s5 =	sshll.u32 s28, $0x1;
	[dreg:$0x2] =	wrdreg s3  }
0xa9: {  	[dreg:$0x3] =	wrdreg s5  }
0xaa: {  	[dreg:$0x4] =	wrdreg $0xC0  }
0xab: {  	_ =	task [dreg:s7], $0x5FFFF  }
0xac: {  	[dreg:$0x1] =	wrdreg $0xFFFFFFFF  }
0xad: {  	[dreg:$0x0] =	wrdreg $0x60  }
0xae: {  	[dreg:$0x2] =	wrdreg s2  }
0xaf: {  	[dreg:$0x3] =	wrdreg s24  }
0xb0: {  	[dreg:$0x4] =	wrdreg $0x9  }
0xb1: {  	_ =	task.clear_ibuf [dreg:s7], $0x5FFFF;
	_ =	strace $0x90000046  }
0xb2: {  	s29 =	simm.s32 $0x9;
	_ =	strace $0x80000048  }
0xb3: {  	_ =	swait.ge [sflag:s29], $0x1  }
0xb4: {  	[sflag:s29] =	ssyncadd.s32 $0xFFFFFFFF  }
0xb5: {  	_ =	strace $0x90000048  }
0xb6: {  	_ =	sfence  }
0xb7: {  	s30 =	sld [smem:$0x0];
	_ =	sdelay $0x2  }
0xb8: {  	s31 =	sshll.u32 s1, $0xD;
	s1 =	sshrl.u32 s1, $0x2  }
0xb9: {  	s3 =	sand.u32 $0x4000, s31;
	s1 =	sadd.s32 s1, s30  }
0xba: {  	s0 =	sor.u32 s3, s0;
	s1 =	sshll.u32 s1, $0x11  }
0xbb: {  	s0 =	sor.u32 s1, s0  }
0xbc: {  	s0 =	sadd.s32 $0x8F2B, s0  }
0xbd: {  	[sflag:s0] =	ssyncadd.remote.s32 $0x1  }
0xbe: {  	_ =	sfence.sel $0xFFFF  }
0xbf: {  	[dreg:$0x0] =	wrdreg $0xFFFFFFFF;
	(pc) =	sbr.abs _section_cstart, $3  }
0xc0: {  	[dreg:$0x1] =	wrdreg $0xFFFFFFFF  }
0xc1: {  	_ =	task.clear_ibuf [dreg:s7], $0x2FFFF;
	_ =	strace $0x9FFFFFFF  }
0xc2: {  	(tm) =	ssettm $0x7FFFFFFF  }
0xc3: {  	_ =	shalt  }
tec
execute0_lowered:
.L_overlay_start_1:
0x0: {  	(tag) =	ssettag $0x1  }
0x1: {  	s0 =	srdreg.scid  }
0x2: {  	s4 =	sand.u32 $0x1, s0;
	s0 =	stileid.u32  }
0x3: {  	s5 =	sshll.u32 s0, $0x1;
	s6 =	ssub.s32 $0x0, s4  }
0x4: {  	p0 =	sne.s32 s5, s6  }
.Ltmp0:
0x5: {  	_ = 	snop;
	(pc) =	sbr.rel @p0 .LBB2_3-.Ltmp0, $4  }
0x6: {  	_ = 	snop  }
0x7: {  	s2 =	rddreg [dreg:$0x0]  }
0x8: {  	s3 =	rddreg [dreg:$0x1]  }
0x9: {  	s1 =	rddreg [dreg:$0x2];
	_ =	strace $0x80000047  }
0xa: {  	s5 =	ssub.s32 $0x2, s4  }
0xb: {  	s4 =	sadd.s32 $0x200, s3;
	s7 =	simm.s32 $0x500;
	s6 =	sshrl.u32 s5, $0x1  }
0xc: {  	s8 =	simm.s32 $0x1;
	s9 =	simm.s32 $0x2;
	s5 =	ssub.s32 s5, s6  }
0xd: {  	v0 =	vimm.f32 $0.0e+00;
	s10 =	simm.s32 $0x3;
	s6 =	simm.s32 $0x0;
	s5 =	smax.u32 s5, $0x1  }
.LBB2_2:
0xe: {  	[tilespmem:s7], [sflag:$0x1] =	stream.linear.gather [hbm4b:s2+s6], $0x2000, $0x38;
	[tilespmem:$0x2500] =	vst v63  }
0xf: {  	_ = 	snop  }
0x10: {  	[tilespmem:s6], [sflag:$0x2] =	stream.linear.gather [hbm4b:s3+s6], $0x500, $0x38;
	[tilespmem:$0x2500] =	vst v63  }
0x11: {  	_ =	swait.ge [sflag:s8], $0x2000  }
0x12: {  	[sflag:s8] =	ssyncset.done $0x0  }
0x13: {  	[sflag:s8] =	ssyncadd.s32 $0xFFFFE000  }
0x14: {  	_ =	swait.ge [sflag:s9], $0x500  }
0x15: {  	[sflag:s9] =	ssyncset.done $0x0  }
0x16: {  	[sflag:s9] =	ssyncadd.s32 $0xFFFFFB00  }
0x17: {  	v1 =	vld [tilespmem:$0x0];
	_ =	sdelay $0x7  }
0x18: {  	[tilespmem:v1+s7+$0x0] =	vst.idx.msk $0xffff, v0  }
0x19: {  	v1 =	vld [tilespmem:$0x10];
	_ =	sdelay $0x7  }
0x1a: {  	[tilespmem:v1+s7+$0x0] =	vst.idx.msk $0xffff, v0  }
0x1b: {  	v1 =	vld [tilespmem:$0x20];
	_ =	sdelay $0x7  }
0x1c: {  	[tilespmem:v1+s7+$0x0] =	vst.idx.msk $0xffff, v0  }
0x1d: {  	v1 =	vld [tilespmem:$0x30];
	_ =	sdelay $0x7  }
0x1e: {  	[tilespmem:v1+s7+$0x0] =	vst.idx.msk $0xffff, v0  }
0x1f: {  	v1 =	vld [tilespmem:$0x40];
	_ =	sdelay $0x7  }
0x20: {  	[tilespmem:v1+s7+$0x0] =	vst.idx.msk $0xffff, v0  }
0x21: {  	v1 =	vld [tilespmem:$0x50];
	_ =	sdelay $0x7  }
0x22: {  	[tilespmem:v1+s7+$0x0] =	vst.idx.msk $0xffff, v0  }
0x23: {  	v1 =	vld [tilespmem:$0x60];
	_ =	sdelay $0x7  }
0x24: {  	[tilespmem:v1+s7+$0x0] =	vst.idx.msk $0xffff, v0  }
0x25: {  	v1 =	vld [tilespmem:$0x70];
	_ =	sdelay $0x7  }
0x26: {  	[tilespmem:v1+s7+$0x0] =	vst.idx.msk $0xffff, v0  }
0x27: {  	v1 =	vld [tilespmem:$0x80];
	_ =	sdelay $0x7  }
0x28: {  	[tilespmem:v1+s7+$0x0] =	vst.idx.msk $0xffff, v0  }
0x29: {  	v1 =	vld [tilespmem:$0x90];
	_ =	sdelay $0x7  }
0x2a: {  	[tilespmem:v1+s7+$0x0] =	vst.idx.msk $0xffff, v0  }
0x2b: {  	v1 =	vld [tilespmem:$0xA0];
	_ =	sdelay $0x7  }
0x2c: {  	[tilespmem:v1+s7+$0x0] =	vst.idx.msk $0xffff, v0  }
0x2d: {  	v1 =	vld [tilespmem:$0xB0];
	_ =	sdelay $0x7  }
0x2e: {  	[tilespmem:v1+s7+$0x0] =	vst.idx.msk $0xffff, v0  }
0x2f: {  	v1 =	vld [tilespmem:$0xC0];
	_ =	sdelay $0x7  }
0x30: {  	[tilespmem:v1+s7+$0x0] =	vst.idx.msk $0xffff, v0  }
0x31: {  	v1 =	vld [tilespmem:$0xD0];
	_ =	sdelay $0x7  }
0x32: {  	[tilespmem:v1+s7+$0x0] =	vst.idx.msk $0xffff, v0  }
0x33: {  	v1 =	vld [tilespmem:$0xE0];
	_ =	sdelay $0x7  }
0x34: {  	[tilespmem:v1+s7+$0x0] =	vst.idx.msk $0xffff, v0  }
0x35: {  	v1 =	vld [tilespmem:$0xF0];
	_ =	sdelay $0x7  }
0x36: {  	[tilespmem:v1+s7+$0x0] =	vst.idx.msk $0xffff, v0  }
0x37: {  	v1 =	vld [tilespmem:$0x100];
	_ =	sdelay $0x7  }
0x38: {  	[tilespmem:v1+s7+$0x0] =	vst.idx.msk $0xffff, v0  }
0x39: {  	v1 =	vld [tilespmem:$0x110];
	_ =	sdelay $0x7  }
0x3a: {  	[tilespmem:v1+s7+$0x0] =	vst.idx.msk $0xffff, v0  }
0x3b: {  	v1 =	vld [tilespmem:$0x120];
	_ =	sdelay $0x7  }
0x3c: {  	[tilespmem:v1+s7+$0x0] =	vst.idx.msk $0xffff, v0  }
0x3d: {  	v1 =	vld [tilespmem:$0x130];
	_ =	sdelay $0x7  }
0x3e: {  	[tilespmem:v1+s7+$0x0] =	vst.idx.msk $0xffff, v0  }
0x3f: {  	v1 =	vld [tilespmem:$0x140];
	_ =	sdelay $0x7  }
0x40: {  	[tilespmem:v1+s7+$0x0] =	vst.idx.msk $0xffff, v0  }
0x41: {  	v1 =	vld [tilespmem:$0x150];
	_ =	sdelay $0x7  }
0x42: {  	[tilespmem:v1+s7+$0x0] =	vst.idx.msk $0xffff, v0  }
0x43: {  	v1 =	vld [tilespmem:$0x160];
	_ =	sdelay $0x7  }
0x44: {  	[tilespmem:v1+s7+$0x0] =	vst.idx.msk $0xffff, v0  }
0x45: {  	v1 =	vld [tilespmem:$0x170];
	_ =	sdelay $0x7  }
0x46: {  	[tilespmem:v1+s7+$0x0] =	vst.idx.msk $0xffff, v0  }
0x47: {  	v1 =	vld [tilespmem:$0x180];
	_ =	sdelay $0x7  }
0x48: {  	[tilespmem:v1+s7+$0x0] =	vst.idx.msk $0xffff, v0  }
0x49: {  	v1 =	vld [tilespmem:$0x190];
	_ =	sdelay $0x7  }
0x4a: {  	[tilespmem:v1+s7+$0x0] =	vst.idx.msk $0xffff, v0  }
0x4b: {  	v1 =	vld [tilespmem:$0x1A0];
	_ =	sdelay $0x7  }
0x4c: {  	[tilespmem:v1+s7+$0x0] =	vst.idx.msk $0xffff, v0  }
0x4d: {  	v1 =	vld [tilespmem:$0x1B0];
	_ =	sdelay $0x7  }
0x4e: {  	[tilespmem:v1+s7+$0x0] =	vst.idx.msk $0xffff, v0  }
0x4f: {  	v1 =	vld [tilespmem:$0x1C0];
	_ =	sdelay $0x7  }
0x50: {  	[tilespmem:v1+s7+$0x0] =	vst.idx.msk $0xffff, v0  }
0x51: {  	v1 =	vld [tilespmem:$0x1D0];
	_ =	sdelay $0x7  }
0x52: {  	[tilespmem:v1+s7+$0x0] =	vst.idx.msk $0xffff, v0  }
0x53: {  	v1 =	vld [tilespmem:$0x1E0];
	_ =	sdelay $0x7  }
0x54: {  	[tilespmem:v1+s7+$0x0] =	vst.idx.msk $0xffff, v0  }
0x55: {  	v1 =	vld [tilespmem:$0x1F0];
	_ =	sdelay $0x7  }
0x56: {  	[tilespmem:v1+s7+$0x0] =	vst.idx.msk $0xffff, v0  }
0x57: {  	v1 =	vld [tilespmem:$0x200];
	_ =	sdelay $0x7  }
0x58: {  	[tilespmem:v1+s7+$0x0] =	vst.idx.msk $0xffff, v0  }
0x59: {  	v1 =	vld [tilespmem:$0x210];
	_ =	sdelay $0x7  }
0x5a: {  	[tilespmem:v1+s7+$0x0] =	vst.idx.msk $0xffff, v0  }
0x5b: {  	v1 =	vld [tilespmem:$0x220];
	_ =	sdelay $0x7  }
0x5c: {  	[tilespmem:v1+s7+$0x0] =	vst.idx.msk $0xffff, v0  }
0x5d: {  	v1 =	vld [tilespmem:$0x230];
	_ =	sdelay $0x7  }
0x5e: {  	[tilespmem:v1+s7+$0x0] =	vst.idx.msk $0xffff, v0  }
0x5f: {  	v1 =	vld [tilespmem:$0x240];
	_ =	sdelay $0x7  }
0x60: {  	[tilespmem:v1+s7+$0x0] =	vst.idx.msk $0xffff, v0  }
0x61: {  	v1 =	vld [tilespmem:$0x250];
	_ =	sdelay $0x7  }
0x62: {  	[tilespmem:v1+s7+$0x0] =	vst.idx.msk $0xffff, v0  }
0x63: {  	v1 =	vld [tilespmem:$0x260];
	_ =	sdelay $0x7  }
0x64: {  	[tilespmem:v1+s7+$0x0] =	vst.idx.msk $0xffff, v0  }
0x65: {  	v1 =	vld [tilespmem:$0x270];
	_ =	sdelay $0x7  }
0x66: {  	[tilespmem:v1+s7+$0x0] =	vst.idx.msk $0xffff, v0  }
0x67: {  	v1 =	vld [tilespmem:$0x280];
	_ =	sdelay $0x7  }
0x68: {  	[tilespmem:v1+s7+$0x0] =	vst.idx.msk $0xffff, v0  }
0x69: {  	v1 =	vld [tilespmem:$0x290];
	_ =	sdelay $0x7  }
0x6a: {  	[tilespmem:v1+s7+$0x0] =	vst.idx.msk $0xffff, v0  }
0x6b: {  	v1 =	vld [tilespmem:$0x2A0];
	_ =	sdelay $0x7  }
0x6c: {  	[tilespmem:v1+s7+$0x0] =	vst.idx.msk $0xffff, v0  }
0x6d: {  	v1 =	vld [tilespmem:$0x2B0];
	_ =	sdelay $0x7  }
0x6e: {  	[tilespmem:v1+s7+$0x0] =	vst.idx.msk $0xffff, v0  }
0x6f: {  	v1 =	vld [tilespmem:$0x2C0];
	_ =	sdelay $0x7  }
0x70: {  	[tilespmem:v1+s7+$0x0] =	vst.idx.msk $0xffff, v0  }
0x71: {  	v1 =	vld [tilespmem:$0x2D0];
	_ =	sdelay $0x7  }
0x72: {  	[tilespmem:v1+s7+$0x0] =	vst.idx.msk $0xffff, v0  }
0x73: {  	v1 =	vld [tilespmem:$0x2E0];
	_ =	sdelay $0x7  }
0x74: {  	[tilespmem:v1+s7+$0x0] =	vst.idx.msk $0xffff, v0  }
0x75: {  	v1 =	vld [tilespmem:$0x2F0];
	_ =	sdelay $0x7  }
0x76: {  	[tilespmem:v1+s7+$0x0] =	vst.idx.msk $0xffff, v0  }
0x77: {  	v1 =	vld [tilespmem:$0x300];
	_ =	sdelay $0x7  }
0x78: {  	[tilespmem:v1+s7+$0x0] =	vst.idx.msk $0xffff, v0  }
0x79: {  	v1 =	vld [tilespmem:$0x310];
	_ =	sdelay $0x7  }
0x7a: {  	[tilespmem:v1+s7+$0x0] =	vst.idx.msk $0xffff, v0  }
0x7b: {  	v1 =	vld [tilespmem:$0x320];
	_ =	sdelay $0x7  }
0x7c: {  	[tilespmem:v1+s7+$0x0] =	vst.idx.msk $0xffff, v0  }
0x7d: {  	v1 =	vld [tilespmem:$0x330];
	_ =	sdelay $0x7  }
0x7e: {  	[tilespmem:v1+s7+$0x0] =	vst.idx.msk $0xffff, v0  }
0x7f: {  	v1 =	vld [tilespmem:$0x340];
	_ =	sdelay $0x7  }
0x80: {  	[tilespmem:v1+s7+$0x0] =	vst.idx.msk $0xffff, v0  }
0x81: {  	v1 =	vld [tilespmem:$0x350];
	_ =	sdelay $0x7  }
0x82: {  	[tilespmem:v1+s7+$0x0] =	vst.idx.msk $0xffff, v0  }
0x83: {  	v1 =	vld [tilespmem:$0x360];
	_ =	sdelay $0x7  }
0x84: {  	[tilespmem:v1+s7+$0x0] =	vst.idx.msk $0xffff, v0  }
0x85: {  	v1 =	vld [tilespmem:$0x370];
	_ =	sdelay $0x7  }
0x86: {  	[tilespmem:v1+s7+$0x0] =	vst.idx.msk $0xffff, v0  }
0x87: {  	v1 =	vld [tilespmem:$0x380];
	_ =	sdelay $0x7  }
0x88: {  	[tilespmem:v1+s7+$0x0] =	vst.idx.msk $0xffff, v0  }
0x89: {  	v1 =	vld [tilespmem:$0x390];
	_ =	sdelay $0x7  }
0x8a: {  	[tilespmem:v1+s7+$0x0] =	vst.idx.msk $0xffff, v0  }
0x8b: {  	v1 =	vld [tilespmem:$0x3A0];
	_ =	sdelay $0x7  }
0x8c: {  	[tilespmem:v1+s7+$0x0] =	vst.idx.msk $0xffff, v0  }
0x8d: {  	v1 =	vld [tilespmem:$0x3B0];
	_ =	sdelay $0x7  }
0x8e: {  	[tilespmem:v1+s7+$0x0] =	vst.idx.msk $0xffff, v0  }
0x8f: {  	v1 =	vld [tilespmem:$0x3C0];
	_ =	sdelay $0x7  }
0x90: {  	[tilespmem:v1+s7+$0x0] =	vst.idx.msk $0xffff, v0  }
0x91: {  	v1 =	vld [tilespmem:$0x3D0];
	_ =	sdelay $0x7  }
0x92: {  	[tilespmem:v1+s7+$0x0] =	vst.idx.msk $0xffff, v0  }
0x93: {  	v1 =	vld [tilespmem:$0x3E0];
	_ =	sdelay $0x7  }
0x94: {  	[tilespmem:v1+s7+$0x0] =	vst.idx.msk $0xffff, v0  }
0x95: {  	v1 =	vld [tilespmem:$0x3F0];
	_ =	sdelay $0x7  }
0x96: {  	[tilespmem:v1+s7+$0x0] =	vst.idx.msk $0xffff, v0  }
0x97: {  	v1 =	vld [tilespmem:$0x400];
	_ =	sdelay $0x7  }
0x98: {  	[tilespmem:v1+s7+$0x0] =	vst.idx.msk $0xffff, v0  }
0x99: {  	v1 =	vld [tilespmem:$0x410];
	_ =	sdelay $0x7  }
0x9a: {  	[tilespmem:v1+s7+$0x0] =	vst.idx.msk $0xffff, v0  }
0x9b: {  	v1 =	vld [tilespmem:$0x420];
	_ =	sdelay $0x7  }
0x9c: {  	[tilespmem:v1+s7+$0x0] =	vst.idx.msk $0xffff, v0  }
0x9d: {  	v1 =	vld [tilespmem:$0x430];
	_ =	sdelay $0x7  }
0x9e: {  	[tilespmem:v1+s7+$0x0] =	vst.idx.msk $0xffff, v0  }
0x9f: {  	v1 =	vld [tilespmem:$0x440];
	_ =	sdelay $0x7  }
0xa0: {  	[tilespmem:v1+s7+$0x0] =	vst.idx.msk $0xffff, v0  }
0xa1: {  	v1 =	vld [tilespmem:$0x450];
	_ =	sdelay $0x7  }
0xa2: {  	[tilespmem:v1+s7+$0x0] =	vst.idx.msk $0xffff, v0  }
0xa3: {  	v1 =	vld [tilespmem:$0x460];
	_ =	sdelay $0x7  }
0xa4: {  	[tilespmem:v1+s7+$0x0] =	vst.idx.msk $0xffff, v0  }
0xa5: {  	v1 =	vld [tilespmem:$0x470];
	_ =	sdelay $0x7  }
0xa6: {  	[tilespmem:v1+s7+$0x0] =	vst.idx.msk $0xffff, v0  }
0xa7: {  	v1 =	vld [tilespmem:$0x480];
	_ =	sdelay $0x7  }
0xa8: {  	[tilespmem:v1+s7+$0x0] =	vst.idx.msk $0xffff, v0  }
0xa9: {  	v1 =	vld [tilespmem:$0x490];
	_ =	sdelay $0x7  }
0xaa: {  	[tilespmem:v1+s7+$0x0] =	vst.idx.msk $0xffff, v0  }
0xab: {  	v1 =	vld [tilespmem:$0x4A0];
	_ =	sdelay $0x7  }
0xac: {  	[tilespmem:v1+s7+$0x0] =	vst.idx.msk $0xffff, v0  }
0xad: {  	v1 =	vld [tilespmem:$0x4B0];
	_ =	sdelay $0x7  }
0xae: {  	[tilespmem:v1+s7+$0x0] =	vst.idx.msk $0xffff, v0  }
0xaf: {  	v1 =	vld [tilespmem:$0x4C0];
	_ =	sdelay $0x6  }
0xb0: {  	p0 =	sne.s32 s5, $0x1  }
.Ltmp1:
0xb1: {  	[tilespmem:v1+s7+$0x0] =	vst.idx.msk $0xffff, v0;
	(pc) =	sbr.rel @p0 .LBB2_2-.Ltmp1, $4  }
0xb2: {  	[hbm4b:s4+s6] =	stream.linear.scatter [tilespmem:s7], [sflag:$0x3], $0x2000, $0x38;
	[tilespmem:$0x2500] =	vst v63  }
0xb3: {  	_ =	swait.ge [sflag:s10], $0x2000  }
0xb4: {  	[sflag:s10] =	ssyncset.done $0x0  }
0xb5: {  	s5 =	sadd.s32 $0xFFFFFFFF, s5;
	[sflag:s10] =	ssyncadd.s32 $0xFFFFE000  }
.LBB2_3:
0xb6: {  	_ =	sfence.sel $0x180000  }
0xb7: {  	[bflag:$0x0] =	sbarrier.arrive $0xFFFF  }
0xb8: {  	p0 =	sne.s32 s0, $0x0;
	_ =	strace $0x90000047  }
0xb9: {  	s0 =	sadd.s32 @!p0 $0x100000, s1;
	[bflag:$0x2] =	sbarrier.arrive $0xFFFF  }
0xba: {  	[sflag:s0] =	ssyncadd.tile.s32 @!p0 $0x1;
	_ =	shalt  }
.Lfunc_end2:
_tile_overlayer_lowered:
.L_overlay_start_2:
0xbb: {  	(tag) =	ssettag $0x2  }
0xbc: {  	s0 =	rddreg [dreg:$0x0];
	s2 =	stileid.u32  }
0xbd: {  	s1 =	rddreg [dreg:$0x1];
	p0 =	sne.s32 s2, $0x0  }
0xbe: {  	s3 =	rddreg [dreg:$0x2];
	[bflag:$0x3] =	sbarrier.arrive $0xFFFF;
	s2 =	simm.s32 @!p0 $0x1C03  }
0xbf: {  	[timem:s3], [sflag:s2] =	dma.local @!p0 [hbm:s0], s1  }
0xc0: {  	s0 =	simm.s32 @!p0 $0x3  }
0xc1: {  	_ =	swait.ge @!p0 [sflag:s0], s1  }
0xc2: {  	s1 =	ssub.s32 @!p0 $0x0, s1;
	[sflag:s0] =	ssyncset.done @!p0 $0x0  }
0xc3: {  	[sflag:s0] =	ssyncadd.s32 @!p0 s1  }
0xc4: {  	[bflag:$0x3] =	sbarrier.arrive $0xFFFF  }
0xc5: {  	_ =	shalt  }

</sc_bundles>
